<compile_context>
chip_gen: v7x
topology: tpu7x:2x2x1
jax: 0.10.2.dev20260603
libtpu: 0.0.44.dev20260713+nightly
codegen_flags: <defaults>
</compile_context>

<pallas_src>
import functools

import jax
import jax.numpy as jnp
from jax import lax
from jax.experimental import pallas as pl
from jax.experimental.pallas import tpu as pltpu
from jax.experimental.pallas import tpu_sc as plsc

N_NODES = 10000
N_EDGES = 320000
D_FEAT = 128

_NC = 2
_NS = 16
_NW = _NC * _NS

_B2 = 2 * N_EDGES
_PER_W = _B2 // _NW
_CHUNK = 160
_NCHUNK = _PER_W // _CHUNK
_NBUF = 5
_LEAD = 3


def _make_gather():
    mesh = plsc.VectorSubcoreMesh(core_axis_name="c", subcore_axis_name="s")

    @functools.partial(
        pl.kernel,
        mesh=mesh,
        out_type=jax.ShapeDtypeStruct((_B2, D_FEAT), jnp.float32),
        scratch_types=[
            pltpu.VMEM((_PER_W,), jnp.int32),
        ]
        + [pltpu.VMEM((_CHUNK, D_FEAT), jnp.float32)] * _NBUF
        + [pltpu.SemaphoreType.DMA] * (2 * _NBUF),
    )
    def gather_kernel(xi_hbm, idx_hbm, out_hbm, idx_all, *bufs):
        rows = bufs[:_NBUF]
        sem_g = bufs[_NBUF:2 * _NBUF]
        sem_s = bufs[2 * _NBUF:]

        wid = lax.axis_index("s") * _NC + lax.axis_index("c")
        base = wid * _PER_W

        pltpu.sync_copy(idx_hbm.at[pl.ds(base, _PER_W)], idx_all)

        def gather_start(j, b):
            pltpu.async_copy(
                xi_hbm.at[idx_all.at[pl.ds(j * _CHUNK, _CHUNK)]],
                rows[b], sem_g[b],
            )

        for jj in range(_LEAD):
            gather_start(jj, jj)

        def ring_body(i, carry):
            for b in range(_NBUF):
                j = i * _NBUF + b
                bn = (b + _LEAD) % _NBUF
                off = base + j * _CHUNK

                @pl.when(j >= _NBUF - _LEAD)
                def _drain_store(bn=bn):
                    pltpu.make_async_copy(
                        rows[bn], out_hbm.at[pl.ds(0, _CHUNK)], sem_s[bn]
                    ).wait()

                @pl.when(j + _LEAD < _NCHUNK)
                def _next_gather(j=j, bn=bn):
                    gather_start(j + _LEAD, bn)

                pltpu.make_async_copy(
                    xi_hbm.at[idx_all.at[pl.ds(0, _CHUNK)]], rows[b], sem_g[b]
                ).wait()
                pltpu.async_copy(
                    rows[b], out_hbm.at[pl.ds(off, _CHUNK)], sem_s[b]
                )
            return carry

        lax.fori_loop(0, _NCHUNK // _NBUF, ring_body, 0)
        for j in range(_NCHUNK - (_NBUF - _LEAD), _NCHUNK):
            pltpu.make_async_copy(
                rows[j % _NBUF], out_hbm.at[pl.ds(0, _CHUNK)], sem_s[j % _NBUF]
            ).wait()

    return gather_kernel


_gather = _make_gather()


def kernel(xi, edge_src, edge_dst, species):
    del species
    idx = jnp.stack(
        [edge_src.astype(jnp.int32), edge_dst.astype(jnp.int32)], axis=1
    ).reshape(_B2)
    out_flat = _gather(xi, idx)
    return out_flat.reshape(N_EDGES, 2 * D_FEAT)

# --- scband reference (transcript-rebuilt; emitter-appended) ---
"""Pipeline reference for scband-edge-concatenate-15101105013298 (READ-ONLY COPY).

The authoritative reference and input builder live on the scoring server;
editing this copy changes nothing except your own understanding.
"""

import jax, jax.numpy as jnp
import numpy as np

N_NODES = 10000
N_EDGES = 320000
D_FEAT = 128

def setup_inputs(seed: int = 0) -> dict:
    key = jax.random.key(seed)
    k1, k2, k3, k4 = jax.random.split(key, 4)
    xi = jax.random.normal(k1, (N_NODES, D_FEAT), dtype=jnp.float32)
    edge_src = jax.random.randint(k2, (N_EDGES,), 0, N_NODES)
    edge_dst = jax.random.randint(k3, (N_EDGES,), 0, N_NODES)
    species = jax.random.randint(k4, (N_NODES,), 0, 100)
    return {"xi": xi, "edge_src": edge_src, "edge_dst": edge_dst, "species": species}

def reference(xi, edge_src, edge_dst, species):
    # EdgeConcatenate: gather node features at edge endpoints and concatenate.
    nat = species.shape[0]
    assert xi.shape[0] == nat, 'Shape mismatch, xi.shape[0] != nat'
    # switch=False, so no switch modulation is applied.
    xij = jnp.concatenate([xi[edge_src], xi[edge_dst]], axis=-1)
    return xij

if __name__ == "__main__":
    import jax
    _d = setup_inputs()
    print(jax.jit(kernel)(*tuple(_d.values())))

</pallas_src>

<mosaic_0001>
#map = affine_map<(d0, d1) -> (0, 0)>
#map1 = affine_map<(d0, d1) -> (0)>
module attributes {stable_mosaic.version = 14 : i64} {
  func.func @gather_kernel(%arg0: i32, %arg1: i32, %arg2: memref<10000x128xf32, #tpu.memory_space<hbm>>, %arg3: memref<640000xi32, #tpu.memory_space<hbm>>, %arg4: memref<640000x128xf32, #tpu.memory_space<hbm>>, %arg5: memref<20000xi32, #tpu.memory_space<vmem>>, %arg6: memref<160x128xf32, #tpu.memory_space<vmem>>, %arg7: memref<160x128xf32, #tpu.memory_space<vmem>>, %arg8: memref<160x128xf32, #tpu.memory_space<vmem>>, %arg9: memref<160x128xf32, #tpu.memory_space<vmem>>, %arg10: memref<160x128xf32, #tpu.memory_space<vmem>>, %arg11: memref<!tpu.dma_semaphore, #tpu.memory_space<semaphore_mem>>, %arg12: memref<!tpu.dma_semaphore, #tpu.memory_space<semaphore_mem>>, %arg13: memref<!tpu.dma_semaphore, #tpu.memory_space<semaphore_mem>>, %arg14: memref<!tpu.dma_semaphore, #tpu.memory_space<semaphore_mem>>, %arg15: memref<!tpu.dma_semaphore, #tpu.memory_space<semaphore_mem>>, %arg16: memref<!tpu.dma_semaphore, #tpu.memory_space<semaphore_mem>>, %arg17: memref<!tpu.dma_semaphore, #tpu.memory_space<semaphore_mem>>, %arg18: memref<!tpu.dma_semaphore, #tpu.memory_space<semaphore_mem>>, %arg19: memref<!tpu.dma_semaphore, #tpu.memory_space<semaphore_mem>>, %arg20: memref<!tpu.dma_semaphore, #tpu.memory_space<semaphore_mem>>) attributes {dimension_semantics = [#tpu.dimension_semantics<core_parallel>, #tpu.dimension_semantics<subcore_parallel>], iteration_bounds = array<i64: 2, 16>, scalar_prefetch = 0 : i64, scratch_operands = 16 : i64, tpu.core_type = #tpu.core_type<sc_vector_subcore>, window_params = [{transform_indices = #map}, {transform_indices = #map1}, {transform_indices = #map}]} {
    %mul3A = arith.constant 2 : i32
    %mul3A_0 = arith.muli %arg1, %mul3A : i32
    %add3A = arith.addi %mul3A_0, %arg0 : i32
    %mul3A_1 = arith.constant 20000 : i32
    %mul3A_2 = arith.muli %add3A, %mul3A_1 : i32
    "tpu.region"() ({
      %run_scoped3A = tpu.sem_alloc : memref<!tpu.dma_semaphore, #tpu.memory_space<semaphore_mem>>
      %dma_start3A_33 = tpu.memref_slice %arg3[%mul3A_2] : memref<640000xi32, #tpu.memory_space<hbm>> -> memref<20000xi32, #tpu.memory_space<hbm>>
      %dma_start3A_34 = tpu.memref_slice %arg3[%mul3A_2] : memref<640000xi32, #tpu.memory_space<hbm>> -> memref<20000xi32, #tpu.memory_space<hbm>>
      tpu.enqueue_dma source(%dma_start3A_34 : memref<20000xi32, #tpu.memory_space<hbm>>) target(%arg5 : memref<20000xi32, #tpu.memory_space<vmem>>) target_semaphore(%run_scoped3A : memref<!tpu.dma_semaphore, #tpu.memory_space<semaphore_mem>>)
      %dma_wait3A_35 = tpu.memref_slice %arg3[%mul3A_2] : memref<640000xi32, #tpu.memory_space<hbm>> -> memref<20000xi32, #tpu.memory_space<hbm>>
      %dma_wait3A_36 = tpu.memref_slice %arg3[%mul3A_2] : memref<640000xi32, #tpu.memory_space<hbm>> -> memref<20000xi32, #tpu.memory_space<hbm>>
      tpu.wait_dma2 semaphore(%run_scoped3A : memref<!tpu.dma_semaphore, #tpu.memory_space<semaphore_mem>>) src(%dma_wait3A_36 : memref<20000xi32, #tpu.memory_space<hbm>>) dst(%arg5 : memref<20000xi32, #tpu.memory_space<vmem>>)
      tpu.yield
    }) : () -> ()
    %dma_start3A = arith.constant 0 : i32
    %dma_start3A_3 = tpu.memref_slice %arg5[%dma_start3A] : memref<20000xi32, #tpu.memory_space<vmem>> -> memref<160xi32, #tpu.memory_space<vmem>>
    %dma_start3A_4 = arith.constant 0 : i32
    %dma_start3A_5 = arith.constant 0 : i32
    %dma_start3A_6 = tpu.memref_slice %arg2[%dma_start3A_4, %dma_start3A_5] : memref<10000x128xf32, #tpu.memory_space<hbm>> -> memref<10000x128xf32, #tpu.memory_space<hbm>>
    tpu.enqueue_indirect_dma source(%dma_start3A_6 : memref<10000x128xf32, #tpu.memory_space<hbm>>) target(%arg6 : memref<160x128xf32, #tpu.memory_space<vmem>>) offsets(%dma_start3A_3 : memref<160xi32, #tpu.memory_space<vmem>>) semaphore(%arg11 : memref<!tpu.dma_semaphore, #tpu.memory_space<semaphore_mem>>)
    %dma_start3A_7 = arith.constant 160 : i32
    %dma_start3A_8 = tpu.memref_slice %arg5[%dma_start3A_7] : memref<20000xi32, #tpu.memory_space<vmem>> -> memref<160xi32, #tpu.memory_space<vmem>>
    %dma_start3A_9 = arith.constant 0 : i32
    %dma_start3A_10 = arith.constant 0 : i32
    %dma_start3A_11 = tpu.memref_slice %arg2[%dma_start3A_9, %dma_start3A_10] : memref<10000x128xf32, #tpu.memory_space<hbm>> -> memref<10000x128xf32, #tpu.memory_space<hbm>>
    tpu.enqueue_indirect_dma source(%dma_start3A_11 : memref<10000x128xf32, #tpu.memory_space<hbm>>) target(%arg7 : memref<160x128xf32, #tpu.memory_space<vmem>>) offsets(%dma_start3A_8 : memref<160xi32, #tpu.memory_space<vmem>>) semaphore(%arg12 : memref<!tpu.dma_semaphore, #tpu.memory_space<semaphore_mem>>)
    %dma_start3A_12 = arith.constant 320 : i32
    %dma_start3A_13 = tpu.memref_slice %arg5[%dma_start3A_12] : memref<20000xi32, #tpu.memory_space<vmem>> -> memref<160xi32, #tpu.memory_space<vmem>>
    %dma_start3A_14 = arith.constant 0 : i32
    %dma_start3A_15 = arith.constant 0 : i32
    %dma_start3A_16 = tpu.memref_slice %arg2[%dma_start3A_14, %dma_start3A_15] : memref<10000x128xf32, #tpu.memory_space<hbm>> -> memref<10000x128xf32, #tpu.memory_space<hbm>>
    tpu.enqueue_indirect_dma source(%dma_start3A_16 : memref<10000x128xf32, #tpu.memory_space<hbm>>) target(%arg8 : memref<160x128xf32, #tpu.memory_space<vmem>>) offsets(%dma_start3A_13 : memref<160xi32, #tpu.memory_space<vmem>>) semaphore(%arg13 : memref<!tpu.dma_semaphore, #tpu.memory_space<semaphore_mem>>)
    %scan3A = arith.constant 0 : i32
    %scan3A_17 = arith.constant 0 : i32
    %scan3A_18 = arith.constant 25 : i32
    %scan3A_19 = arith.addi %scan3A_17, %scan3A_18 : i32
    %scan3A_20 = arith.constant 1 : i32
    scf.for %scan3A_33 = %scan3A_17 to %scan3A_19 step %scan3A_20  : i32 {
      %mul3A_34 = arith.constant 5 : i32
      %mul3A_35 = arith.muli %scan3A_33, %mul3A_34 : i32
      %add3A_36 = arith.constant 0 : i32
      %add3A_37 = arith.addi %mul3A_35, %add3A_36 : i32
      %mul3A_38 = arith.constant 160 : i32
      %mul3A_39 = arith.muli %add3A_37, %mul3A_38 : i32
      %add3A_40 = arith.addi %mul3A_2, %mul3A_39 : i32
      %ge3A = arith.constant 2 : i32
      %ge3A_41 = arith.cmpi sge, %add3A_37, %ge3A : i32
      %convert_element_type3A = arith.extui %ge3A_41 : i1 to i32
      %cond3A = arith.constant 0 : i32
      %cond3A_42 = arith.cmpi ne, %convert_element_type3A, %cond3A : i32
      scf.if %cond3A_42 {
        %dma_wait3A_170 = arith.constant 0 : i32
        %dma_wait3A_171 = arith.constant 0 : i32
        %dma_wait3A_172 = tpu.memref_slice %arg4[%dma_wait3A_170, %dma_wait3A_171] : memref<640000x128xf32, #tpu.memory_space<hbm>> -> memref<160x128xf32, #tpu.memory_space<hbm>>
        %dma_wait3A_173 = arith.constant 0 : i32
        %dma_wait3A_174 = arith.constant 0 : i32
        %dma_wait3A_175 = tpu.memref_slice %arg4[%dma_wait3A_173, %dma_wait3A_174] : memref<640000x128xf32, #tpu.memory_space<hbm>> -> memref<160x128xf32, #tpu.memory_space<hbm>>
        tpu.wait_dma2 semaphore(%arg19 : memref<!tpu.dma_semaphore, #tpu.memory_space<semaphore_mem>>) src(%arg9 : memref<160x128xf32, #tpu.memory_space<vmem>>) dst(%dma_wait3A_175 : memref<160x128xf32, #tpu.memory_space<hbm>>)
      } else {
      }
      %add3A_43 = arith.constant 3 : i32
      %add3A_44 = arith.addi %add3A_37, %add3A_43 : i32
      %lt3A = arith.constant 125 : i32
      %lt3A_45 = arith.cmpi slt, %add3A_44, %lt3A : i32
      %convert_element_type3A_46 = arith.extui %lt3A_45 : i1 to i32
      %cond3A_47 = arith.constant 0 : i32
      %cond3A_48 = arith.cmpi ne, %convert_element_type3A_46, %cond3A_47 : i32
      scf.if %cond3A_48 {
        %add3A_170 = arith.constant 3 : i32
        %add3A_171 = arith.addi %add3A_37, %add3A_170 : i32
        %mul3A_172 = arith.constant 160 : i32
        %mul3A_173 = arith.muli %add3A_171, %mul3A_172 : i32
        %dma_start3A_174 = tpu.memref_slice %arg5[%mul3A_173] : memref<20000xi32, #tpu.memory_space<vmem>> -> memref<160xi32, #tpu.memory_space<vmem>>
        %dma_start3A_175 = arith.constant 0 : i32
        %dma_start3A_176 = arith.constant 0 : i32
        %dma_start3A_177 = tpu.memref_slice %arg2[%dma_start3A_175, %dma_start3A_176] : memref<10000x128xf32, #tpu.memory_space<hbm>> -> memref<10000x128xf32, #tpu.memory_space<hbm>>
        tpu.enqueue_indirect_dma source(%dma_start3A_177 : memref<10000x128xf32, #tpu.memory_space<hbm>>) target(%arg9 : memref<160x128xf32, #tpu.memory_space<vmem>>) offsets(%dma_start3A_174 : memref<160xi32, #tpu.memory_space<vmem>>) semaphore(%arg14 : memref<!tpu.dma_semaphore, #tpu.memory_space<semaphore_mem>>)
      } else {
      }
      %dma_wait3A_49 = arith.constant 0 : i32
      %dma_wait3A_50 = tpu.memref_slice %arg5[%dma_wait3A_49] : memref<20000xi32, #tpu.memory_space<vmem>> -> memref<160xi32, #tpu.memory_space<vmem>>
      %dma_wait3A_51 = arith.constant 0 : i32
      %dma_wait3A_52 = arith.constant 0 : i32
      %dma_wait3A_53 = tpu.memref_slice %arg2[%dma_wait3A_51, %dma_wait3A_52] : memref<10000x128xf32, #tpu.memory_space<hbm>> -> memref<10000x128xf32, #tpu.memory_space<hbm>>
      tpu.wait_indirect_dma semaphore(%arg11 : memref<!tpu.dma_semaphore, #tpu.memory_space<semaphore_mem>>) src(%dma_wait3A_53 : memref<10000x128xf32, #tpu.memory_space<hbm>>) dst(%arg6 : memref<160x128xf32, #tpu.memory_space<vmem>>)
      %dma_start3A_54 = arith.constant 0 : i32
      %dma_start3A_55 = tpu.memref_slice %arg4[%add3A_40, %dma_start3A_54] : memref<640000x128xf32, #tpu.memory_space<hbm>> -> memref<160x128xf32, #tpu.memory_space<hbm>>
      %dma_start3A_56 = arith.constant 0 : i32
      %dma_start3A_57 = tpu.memref_slice %arg4[%add3A_40, %dma_start3A_56] : memref<640000x128xf32, #tpu.memory_space<hbm>> -> memref<160x128xf32, #tpu.memory_space<hbm>>
      tpu.enqueue_dma source(%arg6 : memref<160x128xf32, #tpu.memory_space<vmem>>) target(%dma_start3A_57 : memref<160x128xf32, #tpu.memory_space<hbm>>) target_semaphore(%arg16 : memref<!tpu.dma_semaphore, #tpu.memory_space<semaphore_mem>>)
      %mul3A_58 = arith.constant 5 : i32
      %mul3A_59 = arith.muli %scan3A_33, %mul3A_58 : i32
      %add3A_60 = arith.constant 1 : i32
      %add3A_61 = arith.addi %mul3A_59, %add3A_60 : i32
      %mul3A_62 = arith.constant 160 : i32
      %mul3A_63 = arith.muli %add3A_61, %mul3A_62 : i32
      %add3A_64 = arith.addi %mul3A_2, %mul3A_63 : i32
      %ge3A_65 = arith.constant 2 : i32
      %ge3A_66 = arith.cmpi sge, %add3A_61, %ge3A_65 : i32
      %convert_element_type3A_67 = arith.extui %ge3A_66 : i1 to i32
      %cond3A_68 = arith.constant 0 : i32
      %cond3A_69 = arith.cmpi ne, %convert_element_type3A_67, %cond3A_68 : i32
      scf.if %cond3A_69 {
        %dma_wait3A_170 = arith.constant 0 : i32
        %dma_wait3A_171 = arith.constant 0 : i32
        %dma_wait3A_172 = tpu.memref_slice %arg4[%dma_wait3A_170, %dma_wait3A_171] : memref<640000x128xf32, #tpu.memory_space<hbm>> -> memref<160x128xf32, #tpu.memory_space<hbm>>
        %dma_wait3A_173 = arith.constant 0 : i32
        %dma_wait3A_174 = arith.constant 0 : i32
        %dma_wait3A_175 = tpu.memref_slice %arg4[%dma_wait3A_173, %dma_wait3A_174] : memref<640000x128xf32, #tpu.memory_space<hbm>> -> memref<160x128xf32, #tpu.memory_space<hbm>>
        tpu.wait_dma2 semaphore(%arg20 : memref<!tpu.dma_semaphore, #tpu.memory_space<semaphore_mem>>) src(%arg10 : memref<160x128xf32, #tpu.memory_space<vmem>>) dst(%dma_wait3A_175 : memref<160x128xf32, #tpu.memory_space<hbm>>)
      } else {
      }
      %add3A_70 = arith.constant 3 : i32
      %add3A_71 = arith.addi %add3A_61, %add3A_70 : i32
      %lt3A_72 = arith.constant 125 : i32
      %lt3A_73 = arith.cmpi slt, %add3A_71, %lt3A_72 : i32
      %convert_element_type3A_74 = arith.extui %lt3A_73 : i1 to i32
      %cond3A_75 = arith.constant 0 : i32
      %cond3A_76 = arith.cmpi ne, %convert_element_type3A_74, %cond3A_75 : i32
      scf.if %cond3A_76 {
        %add3A_170 = arith.constant 3 : i32
        %add3A_171 = arith.addi %add3A_61, %add3A_170 : i32
        %mul3A_172 = arith.constant 160 : i32
        %mul3A_173 = arith.muli %add3A_171, %mul3A_172 : i32
        %dma_start3A_174 = tpu.memref_slice %arg5[%mul3A_173] : memref<20000xi32, #tpu.memory_space<vmem>> -> memref<160xi32, #tpu.memory_space<vmem>>
        %dma_start3A_175 = arith.constant 0 : i32
        %dma_start3A_176 = arith.constant 0 : i32
        %dma_start3A_177 = tpu.memref_slice %arg2[%dma_start3A_175, %dma_start3A_176] : memref<10000x128xf32, #tpu.memory_space<hbm>> -> memref<10000x128xf32, #tpu.memory_space<hbm>>
        tpu.enqueue_indirect_dma source(%dma_start3A_177 : memref<10000x128xf32, #tpu.memory_space<hbm>>) target(%arg10 : memref<160x128xf32, #tpu.memory_space<vmem>>) offsets(%dma_start3A_174 : memref<160xi32, #tpu.memory_space<vmem>>) semaphore(%arg15 : memref<!tpu.dma_semaphore, #tpu.memory_space<semaphore_mem>>)
      } else {
      }
      %dma_wait3A_77 = arith.constant 0 : i32
      %dma_wait3A_78 = tpu.memref_slice %arg5[%dma_wait3A_77] : memref<20000xi32, #tpu.memory_space<vmem>> -> memref<160xi32, #tpu.memory_space<vmem>>
      %dma_wait3A_79 = arith.constant 0 : i32
      %dma_wait3A_80 = arith.constant 0 : i32
      %dma_wait3A_81 = tpu.memref_slice %arg2[%dma_wait3A_79, %dma_wait3A_80] : memref<10000x128xf32, #tpu.memory_space<hbm>> -> memref<10000x128xf32, #tpu.memory_space<hbm>>
      tpu.wait_indirect_dma semaphore(%arg12 : memref<!tpu.dma_semaphore, #tpu.memory_space<semaphore_mem>>) src(%dma_wait3A_81 : memref<10000x128xf32, #tpu.memory_space<hbm>>) dst(%arg7 : memref<160x128xf32, #tpu.memory_space<vmem>>)
      %dma_start3A_82 = arith.constant 0 : i32
      %dma_start3A_83 = tpu.memref_slice %arg4[%add3A_64, %dma_start3A_82] : memref<640000x128xf32, #tpu.memory_space<hbm>> -> memref<160x128xf32, #tpu.memory_space<hbm>>
      %dma_start3A_84 = arith.constant 0 : i32
      %dma_start3A_85 = tpu.memref_slice %arg4[%add3A_64, %dma_start3A_84] : memref<640000x128xf32, #tpu.memory_space<hbm>> -> memref<160x128xf32, #tpu.memory_space<hbm>>
      tpu.enqueue_dma source(%arg7 : memref<160x128xf32, #tpu.memory_space<vmem>>) target(%dma_start3A_85 : memref<160x128xf32, #tpu.memory_space<hbm>>) target_semaphore(%arg17 : memref<!tpu.dma_semaphore, #tpu.memory_space<semaphore_mem>>)
      %mul3A_86 = arith.constant 5 : i32
      %mul3A_87 = arith.muli %scan3A_33, %mul3A_86 : i32
      %add3A_88 = arith.constant 2 : i32
      %add3A_89 = arith.addi %mul3A_87, %add3A_88 : i32
      %mul3A_90 = arith.constant 160 : i32
      %mul3A_91 = arith.muli %add3A_89, %mul3A_90 : i32
      %add3A_92 = arith.addi %mul3A_2, %mul3A_91 : i32
      %ge3A_93 = arith.constant 2 : i32
      %ge3A_94 = arith.cmpi sge, %add3A_89, %ge3A_93 : i32
      %convert_element_type3A_95 = arith.extui %ge3A_94 : i1 to i32
      %cond3A_96 = arith.constant 0 : i32
      %cond3A_97 = arith.cmpi ne, %convert_element_type3A_95, %cond3A_96 : i32
      scf.if %cond3A_97 {
        %dma_wait3A_170 = arith.constant 0 : i32
        %dma_wait3A_171 = arith.constant 0 : i32
        %dma_wait3A_172 = tpu.memref_slice %arg4[%dma_wait3A_170, %dma_wait3A_171] : memref<640000x128xf32, #tpu.memory_space<hbm>> -> memref<160x128xf32, #tpu.memory_space<hbm>>
        %dma_wait3A_173 = arith.constant 0 : i32
        %dma_wait3A_174 = arith.constant 0 : i32
        %dma_wait3A_175 = tpu.memref_slice %arg4[%dma_wait3A_173, %dma_wait3A_174] : memref<640000x128xf32, #tpu.memory_space<hbm>> -> memref<160x128xf32, #tpu.memory_space<hbm>>
        tpu.wait_dma2 semaphore(%arg16 : memref<!tpu.dma_semaphore, #tpu.memory_space<semaphore_mem>>) src(%arg6 : memref<160x128xf32, #tpu.memory_space<vmem>>) dst(%dma_wait3A_175 : memref<160x128xf32, #tpu.memory_space<hbm>>)
      } else {
      }
      %add3A_98 = arith.constant 3 : i32
      %add3A_99 = arith.addi %add3A_89, %add3A_98 : i32
      %lt3A_100 = arith.constant 125 : i32
      %lt3A_101 = arith.cmpi slt, %add3A_99, %lt3A_100 : i32
      %convert_element_type3A_102 = arith.extui %lt3A_101 : i1 to i32
      %cond3A_103 = arith.constant 0 : i32
      %cond3A_104 = arith.cmpi ne, %convert_element_type3A_102, %cond3A_103 : i32
      scf.if %cond3A_104 {
        %add3A_170 = arith.constant 3 : i32
        %add3A_171 = arith.addi %add3A_89, %add3A_170 : i32
        %mul3A_172 = arith.constant 160 : i32
        %mul3A_173 = arith.muli %add3A_171, %mul3A_172 : i32
        %dma_start3A_174 = tpu.memref_slice %arg5[%mul3A_173] : memref<20000xi32, #tpu.memory_space<vmem>> -> memref<160xi32, #tpu.memory_space<vmem>>
        %dma_start3A_175 = arith.constant 0 : i32
        %dma_start3A_176 = arith.constant 0 : i32
        %dma_start3A_177 = tpu.memref_slice %arg2[%dma_start3A_175, %dma_start3A_176] : memref<10000x128xf32, #tpu.memory_space<hbm>> -> memref<10000x128xf32, #tpu.memory_space<hbm>>
        tpu.enqueue_indirect_dma source(%dma_start3A_177 : memref<10000x128xf32, #tpu.memory_space<hbm>>) target(%arg6 : memref<160x128xf32, #tpu.memory_space<vmem>>) offsets(%dma_start3A_174 : memref<160xi32, #tpu.memory_space<vmem>>) semaphore(%arg11 : memref<!tpu.dma_semaphore, #tpu.memory_space<semaphore_mem>>)
      } else {
      }
      %dma_wait3A_105 = arith.constant 0 : i32
      %dma_wait3A_106 = tpu.memref_slice %arg5[%dma_wait3A_105] : memref<20000xi32, #tpu.memory_space<vmem>> -> memref<160xi32, #tpu.memory_space<vmem>>
      %dma_wait3A_107 = arith.constant 0 : i32
      %dma_wait3A_108 = arith.constant 0 : i32
      %dma_wait3A_109 = tpu.memref_slice %arg2[%dma_wait3A_107, %dma_wait3A_108] : memref<10000x128xf32, #tpu.memory_space<hbm>> -> memref<10000x128xf32, #tpu.memory_space<hbm>>
      tpu.wait_indirect_dma semaphore(%arg13 : memref<!tpu.dma_semaphore, #tpu.memory_space<semaphore_mem>>) src(%dma_wait3A_109 : memref<10000x128xf32, #tpu.memory_space<hbm>>) dst(%arg8 : memref<160x128xf32, #tpu.memory_space<vmem>>)
      %dma_start3A_110 = arith.constant 0 : i32
      %dma_start3A_111 = tpu.memref_slice %arg4[%add3A_92, %dma_start3A_110] : memref<640000x128xf32, #tpu.memory_space<hbm>> -> memref<160x128xf32, #tpu.memory_space<hbm>>
      %dma_start3A_112 = arith.constant 0 : i32
      %dma_start3A_113 = tpu.memref_slice %arg4[%add3A_92, %dma_start3A_112] : memref<640000x128xf32, #tpu.memory_space<hbm>> -> memref<160x128xf32, #tpu.memory_space<hbm>>
      tpu.enqueue_dma source(%arg8 : memref<160x128xf32, #tpu.memory_space<vmem>>) target(%dma_start3A_113 : memref<160x128xf32, #tpu.memory_space<hbm>>) target_semaphore(%arg18 : memref<!tpu.dma_semaphore, #tpu.memory_space<semaphore_mem>>)
      %mul3A_114 = arith.constant 5 : i32
      %mul3A_115 = arith.muli %scan3A_33, %mul3A_114 : i32
      %add3A_116 = arith.constant 3 : i32
      %add3A_117 = arith.addi %mul3A_115, %add3A_116 : i32
      %mul3A_118 = arith.constant 160 : i32
      %mul3A_119 = arith.muli %add3A_117, %mul3A_118 : i32
      %add3A_120 = arith.addi %mul3A_2, %mul3A_119 : i32
      %ge3A_121 = arith.constant 2 : i32
      %ge3A_122 = arith.cmpi sge, %add3A_117, %ge3A_121 : i32
      %convert_element_type3A_123 = arith.extui %ge3A_122 : i1 to i32
      %cond3A_124 = arith.constant 0 : i32
      %cond3A_125 = arith.cmpi ne, %convert_element_type3A_123, %cond3A_124 : i32
      scf.if %cond3A_125 {
        %dma_wait3A_170 = arith.constant 0 : i32
        %dma_wait3A_171 = arith.constant 0 : i32
        %dma_wait3A_172 = tpu.memref_slice %arg4[%dma_wait3A_170, %dma_wait3A_171] : memref<640000x128xf32, #tpu.memory_space<hbm>> -> memref<160x128xf32, #tpu.memory_space<hbm>>
        %dma_wait3A_173 = arith.constant 0 : i32
        %dma_wait3A_174 = arith.constant 0 : i32
        %dma_wait3A_175 = tpu.memref_slice %arg4[%dma_wait3A_173, %dma_wait3A_174] : memref<640000x128xf32, #tpu.memory_space<hbm>> -> memref<160x128xf32, #tpu.memory_space<hbm>>
        tpu.wait_dma2 semaphore(%arg17 : memref<!tpu.dma_semaphore, #tpu.memory_space<semaphore_mem>>) src(%arg7 : memref<160x128xf32, #tpu.memory_space<vmem>>) dst(%dma_wait3A_175 : memref<160x128xf32, #tpu.memory_space<hbm>>)
      } else {
      }
      %add3A_126 = arith.constant 3 : i32
      %add3A_127 = arith.addi %add3A_117, %add3A_126 : i32
      %lt3A_128 = arith.constant 125 : i32
      %lt3A_129 = arith.cmpi slt, %add3A_127, %lt3A_128 : i32
      %convert_element_type3A_130 = arith.extui %lt3A_129 : i1 to i32
      %cond3A_131 = arith.constant 0 : i32
      %cond3A_132 = arith.cmpi ne, %convert_element_type3A_130, %cond3A_131 : i32
      scf.if %cond3A_132 {
        %add3A_170 = arith.constant 3 : i32
        %add3A_171 = arith.addi %add3A_117, %add3A_170 : i32
        %mul3A_172 = arith.constant 160 : i32
        %mul3A_173 = arith.muli %add3A_171, %mul3A_172 : i32
        %dma_start3A_174 = tpu.memref_slice %arg5[%mul3A_173] : memref<20000xi32, #tpu.memory_space<vmem>> -> memref<160xi32, #tpu.memory_space<vmem>>
        %dma_start3A_175 = arith.constant 0 : i32
        %dma_start3A_176 = arith.constant 0 : i32
        %dma_start3A_177 = tpu.memref_slice %arg2[%dma_start3A_175, %dma_start3A_176] : memref<10000x128xf32, #tpu.memory_space<hbm>> -> memref<10000x128xf32, #tpu.memory_space<hbm>>
        tpu.enqueue_indirect_dma source(%dma_start3A_177 : memref<10000x128xf32, #tpu.memory_space<hbm>>) target(%arg7 : memref<160x128xf32, #tpu.memory_space<vmem>>) offsets(%dma_start3A_174 : memref<160xi32, #tpu.memory_space<vmem>>) semaphore(%arg12 : memref<!tpu.dma_semaphore, #tpu.memory_space<semaphore_mem>>)
      } else {
      }
      %dma_wait3A_133 = arith.constant 0 : i32
      %dma_wait3A_134 = tpu.memref_slice %arg5[%dma_wait3A_133] : memref<20000xi32, #tpu.memory_space<vmem>> -> memref<160xi32, #tpu.memory_space<vmem>>
      %dma_wait3A_135 = arith.constant 0 : i32
      %dma_wait3A_136 = arith.constant 0 : i32
      %dma_wait3A_137 = tpu.memref_slice %arg2[%dma_wait3A_135, %dma_wait3A_136] : memref<10000x128xf32, #tpu.memory_space<hbm>> -> memref<10000x128xf32, #tpu.memory_space<hbm>>
      tpu.wait_indirect_dma semaphore(%arg14 : memref<!tpu.dma_semaphore, #tpu.memory_space<semaphore_mem>>) src(%dma_wait3A_137 : memref<10000x128xf32, #tpu.memory_space<hbm>>) dst(%arg9 : memref<160x128xf32, #tpu.memory_space<vmem>>)
      %dma_start3A_138 = arith.constant 0 : i32
      %dma_start3A_139 = tpu.memref_slice %arg4[%add3A_120, %dma_start3A_138] : memref<640000x128xf32, #tpu.memory_space<hbm>> -> memref<160x128xf32, #tpu.memory_space<hbm>>
      %dma_start3A_140 = arith.constant 0 : i32
      %dma_start3A_141 = tpu.memref_slice %arg4[%add3A_120, %dma_start3A_140] : memref<640000x128xf32, #tpu.memory_space<hbm>> -> memref<160x128xf32, #tpu.memory_space<hbm>>
      tpu.enqueue_dma source(%arg9 : memref<160x128xf32, #tpu.memory_space<vmem>>) target(%dma_start3A_141 : memref<160x128xf32, #tpu.memory_space<hbm>>) target_semaphore(%arg19 : memref<!tpu.dma_semaphore, #tpu.memory_space<semaphore_mem>>)
      %mul3A_142 = arith.constant 5 : i32
      %mul3A_143 = arith.muli %scan3A_33, %mul3A_142 : i32
      %add3A_144 = arith.constant 4 : i32
      %add3A_145 = arith.addi %mul3A_143, %add3A_144 : i32
      %mul3A_146 = arith.constant 160 : i32
      %mul3A_147 = arith.muli %add3A_145, %mul3A_146 : i32
      %add3A_148 = arith.addi %mul3A_2, %mul3A_147 : i32
      %ge3A_149 = arith.constant 2 : i32
      %ge3A_150 = arith.cmpi sge, %add3A_145, %ge3A_149 : i32
      %convert_element_type3A_151 = arith.extui %ge3A_150 : i1 to i32
      %cond3A_152 = arith.constant 0 : i32
      %cond3A_153 = arith.cmpi ne, %convert_element_type3A_151, %cond3A_152 : i32
      scf.if %cond3A_153 {
        %dma_wait3A_170 = arith.constant 0 : i32
        %dma_wait3A_171 = arith.constant 0 : i32
        %dma_wait3A_172 = tpu.memref_slice %arg4[%dma_wait3A_170, %dma_wait3A_171] : memref<640000x128xf32, #tpu.memory_space<hbm>> -> memref<160x128xf32, #tpu.memory_space<hbm>>
        %dma_wait3A_173 = arith.constant 0 : i32
        %dma_wait3A_174 = arith.constant 0 : i32
        %dma_wait3A_175 = tpu.memref_slice %arg4[%dma_wait3A_173, %dma_wait3A_174] : memref<640000x128xf32, #tpu.memory_space<hbm>> -> memref<160x128xf32, #tpu.memory_space<hbm>>
        tpu.wait_dma2 semaphore(%arg18 : memref<!tpu.dma_semaphore, #tpu.memory_space<semaphore_mem>>) src(%arg8 : memref<160x128xf32, #tpu.memory_space<vmem>>) dst(%dma_wait3A_175 : memref<160x128xf32, #tpu.memory_space<hbm>>)
      } else {
      }
      %add3A_154 = arith.constant 3 : i32
      %add3A_155 = arith.addi %add3A_145, %add3A_154 : i32
      %lt3A_156 = arith.constant 125 : i32
      %lt3A_157 = arith.cmpi slt, %add3A_155, %lt3A_156 : i32
      %convert_element_type3A_158 = arith.extui %lt3A_157 : i1 to i32
      %cond3A_159 = arith.constant 0 : i32
      %cond3A_160 = arith.cmpi ne, %convert_element_type3A_158, %cond3A_159 : i32
      scf.if %cond3A_160 {
        %add3A_170 = arith.constant 3 : i32
        %add3A_171 = arith.addi %add3A_145, %add3A_170 : i32
        %mul3A_172 = arith.constant 160 : i32
        %mul3A_173 = arith.muli %add3A_171, %mul3A_172 : i32
        %dma_start3A_174 = tpu.memref_slice %arg5[%mul3A_173] : memref<20000xi32, #tpu.memory_space<vmem>> -> memref<160xi32, #tpu.memory_space<vmem>>
        %dma_start3A_175 = arith.constant 0 : i32
        %dma_start3A_176 = arith.constant 0 : i32
        %dma_start3A_177 = tpu.memref_slice %arg2[%dma_start3A_175, %dma_start3A_176] : memref<10000x128xf32, #tpu.memory_space<hbm>> -> memref<10000x128xf32, #tpu.memory_space<hbm>>
        tpu.enqueue_indirect_dma source(%dma_start3A_177 : memref<10000x128xf32, #tpu.memory_space<hbm>>) target(%arg8 : memref<160x128xf32, #tpu.memory_space<vmem>>) offsets(%dma_start3A_174 : memref<160xi32, #tpu.memory_space<vmem>>) semaphore(%arg13 : memref<!tpu.dma_semaphore, #tpu.memory_space<semaphore_mem>>)
      } else {
      }
      %dma_wait3A_161 = arith.constant 0 : i32
      %dma_wait3A_162 = tpu.memref_slice %arg5[%dma_wait3A_161] : memref<20000xi32, #tpu.memory_space<vmem>> -> memref<160xi32, #tpu.memory_space<vmem>>
      %dma_wait3A_163 = arith.constant 0 : i32
      %dma_wait3A_164 = arith.constant 0 : i32
      %dma_wait3A_165 = tpu.memref_slice %arg2[%dma_wait3A_163, %dma_wait3A_164] : memref<10000x128xf32, #tpu.memory_space<hbm>> -> memref<10000x128xf32, #tpu.memory_space<hbm>>
      tpu.wait_indirect_dma semaphore(%arg15 : memref<!tpu.dma_semaphore, #tpu.memory_space<semaphore_mem>>) src(%dma_wait3A_165 : memref<10000x128xf32, #tpu.memory_space<hbm>>) dst(%arg10 : memref<160x128xf32, #tpu.memory_space<vmem>>)
      %dma_start3A_166 = arith.constant 0 : i32
      %dma_start3A_167 = tpu.memref_slice %arg4[%add3A_148, %dma_start3A_166] : memref<640000x128xf32, #tpu.memory_space<hbm>> -> memref<160x128xf32, #tpu.memory_space<hbm>>
      %dma_start3A_168 = arith.constant 0 : i32
      %dma_start3A_169 = tpu.memref_slice %arg4[%add3A_148, %dma_start3A_168] : memref<640000x128xf32, #tpu.memory_space<hbm>> -> memref<160x128xf32, #tpu.memory_space<hbm>>
      tpu.enqueue_dma source(%arg10 : memref<160x128xf32, #tpu.memory_space<vmem>>) target(%dma_start3A_169 : memref<160x128xf32, #tpu.memory_space<hbm>>) target_semaphore(%arg20 : memref<!tpu.dma_semaphore, #tpu.memory_space<semaphore_mem>>)
    }
    %scan3A_21 = arith.constant 25 : i32
    %dma_wait3A = arith.constant 0 : i32
    %dma_wait3A_22 = arith.constant 0 : i32
    %dma_wait3A_23 = tpu.memref_slice %arg4[%dma_wait3A, %dma_wait3A_22] : memref<640000x128xf32, #tpu.memory_space<hbm>> -> memref<160x128xf32, #tpu.memory_space<hbm>>
    %dma_wait3A_24 = arith.constant 0 : i32
    %dma_wait3A_25 = arith.constant 0 : i32
    %dma_wait3A_26 = tpu.memref_slice %arg4[%dma_wait3A_24, %dma_wait3A_25] : memref<640000x128xf32, #tpu.memory_space<hbm>> -> memref<160x128xf32, #tpu.memory_space<hbm>>
    tpu.wait_dma2 semaphore(%arg19 : memref<!tpu.dma_semaphore, #tpu.memory_space<semaphore_mem>>) src(%arg9 : memref<160x128xf32, #tpu.memory_space<vmem>>) dst(%dma_wait3A_26 : memref<160x128xf32, #tpu.memory_space<hbm>>)
    %dma_wait3A_27 = arith.constant 0 : i32
    %dma_wait3A_28 = arith.constant 0 : i32
    %dma_wait3A_29 = tpu.memref_slice %arg4[%dma_wait3A_27, %dma_wait3A_28] : memref<640000x128xf32, #tpu.memory_space<hbm>> -> memref<160x128xf32, #tpu.memory_space<hbm>>
    %dma_wait3A_30 = arith.constant 0 : i32
    %dma_wait3A_31 = arith.constant 0 : i32
    %dma_wait3A_32 = tpu.memref_slice %arg4[%dma_wait3A_30, %dma_wait3A_31] : memref<640000x128xf32, #tpu.memory_space<hbm>> -> memref<160x128xf32, #tpu.memory_space<hbm>>
    tpu.wait_dma2 semaphore(%arg20 : memref<!tpu.dma_semaphore, #tpu.memory_space<semaphore_mem>>) src(%arg10 : memref<160x128xf32, #tpu.memory_space<vmem>>) dst(%dma_wait3A_32 : memref<160x128xf32, #tpu.memory_space<hbm>>)
    return
  }
}

</mosaic_0001>

<sc_bundles>
// kernel: kernel.3.cloned.1.call-start
scs
__scs_entry_jumppad:
0x0: {  	(pc) =	sbr.rel $0x88, $3  }
0x1: {  	(tag) =	ssettag $0x0;
	lr =	simm.s32 $0x1  }
0x2: {  	[smem:$0x3F9E] =	sst lr;
	_ =	strace $0xD0000000  }
0x3: {  	_ = 	snop  }
0x4: {  	_ = 	snop  }
0x5: {  	_ = 	snop  }
0x6: {  	_ = 	snop  }
0x7: {  	_ = 	snop  }
__scs_overlays_trampoline_lowered:
0x8: {  	[smem:$0x3FAD] =	sst s0  }
0x9: {  	[smem:$0x3FAE] =	sst s1  }
0xa: {  	[smem:$0x3FAF] =	sst s2  }
0xb: {  	[smem:$0x3FB0] =	sst s3  }
0xc: {  	[smem:$0x3FB1] =	sst s4  }
0xd: {  	[smem:$0x3FB2] =	sst s5  }
0xe: {  	[smem:$0x3FB3] =	sst s6  }
0xf: {  	[smem:$0x3FB4] =	sst s7  }
0x10: {  	[smem:$0x3FB5] =	sst s8  }
0x11: {  	[smem:$0x3FB6] =	sst s9;
	s0 =	simm.s32 @!p0 $0x0  }
0x12: {  	s1 =	sld [smem:$0x3F9C];
	s0 =	simm.s32 @p0 $0x1  }
0x13: {  	[smem:$0x3FB7] =	sst s0;
	s0 =	simm.s32 @!p1 $0x0  }
0x14: {  	s2 =	sld [smem:$0x3F9B];
	s0 =	simm.s32 @p1 $0x1  }
0x15: {  	[smem:$0x3FB8] =	sst s0;
	s0 =	simm.s32 @!p2 $0x0  }
0x16: {  	s3 =	sld [smem:$0x3FDB];
	s0 =	simm.s32 @p2 $0x1  }
0x17: {  	s4 =	simm.s32 $0x1BF5;
	[smem:$0x3FBA] =	sst s0  }
0x18: {  	s0 =	sld [smem:$0x3F9D];
	_ =	swait.ge [sflag:s4], $0x0  }
0x19: {  	s7 =	sld [smem:$0x3F9E]  }
0x1a: {  	s8 =	sadd.s32 $0xFFFFE003, lr  }
0x1b: {  	s9 =	sadd.s32 $0xFFFFFEF7, lr;
	s5 =	simm.s32 $0xFFFFFFFF;
	p2 =	slt.u32 s8, $0xFFFFF086  }
0x1c: {  	p1 =	slt.u32 s9, $0xF7A;
	s5 =	simm.s32 @!p2 $0x0  }
0x1d: {  	s5 =	simm.s32 @p1 $0x1;
	p0 =	seq.s32 s7, s2  }
0x1e: {  	s7 =	smul.u32 @!p0 $0xF7A, s2;
	p2 =	seq.s32 @!p0 s5, $0x0  }
0x1f: {  	s9 =	smul.u32 $0xF7A, s1;
	s8 =	simm.s32 @!p0 $0x1BF5;
	p2 =	por !p2, p0  }
0x20: {  	[sflag:s8] =	ssyncset.s32 @!p0 $0xFFFFF086;
	s6 =	sadd.s32 @!p0 s3, s7;
	s7 =	simm.s32 @!p0 $0x108  }
0x21: {  	s3 =	sadd.s32 s3, s9;
	s6 =	sadd.s32 @!p0 $0x88, s6;
	s7 =	simm.s32 @p2 $0x1082  }
0x22: {  	[simem:s7], [sflag:s8] =	dma.local @!p0 [hbm:s6], $0xF7A  }
0x23: {  	s9 =	sor.u32 $0xD0000000, s2;
	s6 =	simm.s32 $0x108;
	_ =	swait.ge @!p0 [sflag:s8], $0x0  }
0x24: {  	s3 =	sadd.s32 $0x88, s3;
	s6 =	simm.s32 @!p1 $0x1082;
	[sflag:s4] =	ssyncset.s32 $0xFFFFF086  }
0x25: {  	[simem:s6], [sflag:s4] =	dma.local [hbm:s3], $0xF7A  }
0x26: {  	[smem:$0x3F9E] =	sst s1;
	(tag) =	ssettag s2;
	_ =	strace s9  }
0x27: {  	s1 =	sld [smem:$0x3FAE]  }
0x28: {  	s2 =	sld [smem:$0x3FAF]  }
0x29: {  	s4 =	sld [smem:$0x3FB1]  }
0x2a: {  	p0 =	seq.s32 s5, $0x0;
	s5 =	sld [smem:$0x3FB2]  }
0x2b: {  	s6 =	sld [smem:$0x3FB3]  }
0x2c: {  	s7 =	sld [smem:$0x3FB4]  }
0x2d: {  	s3 =	simm.s32 $0x108;
	s8 =	sld [smem:$0x3FB5]  }
0x2e: {  	s3 =	simm.s32 @!p0 $0x1082;
	s9 =	sld [smem:$0x3FB6]  }
0x2f: {  	lr =	sadd.s32 s0, s3;
	s0 =	sld [smem:$0x3FAD]  }
0x30: {  	s3 =	sld [smem:$0x3FB0]  }
0x31: {  	[smem:$0x3FB9] =	sst s10  }
0x32: {  	s10 =	sld [smem:$0x3FB7];
	_ =	sdelay $0x3  }
0x33: {  	p0 =	seq.s32 s10, $0x1;
	s10 =	sld [smem:$0x3FB9];
	_ =	sdelay $0x3  }
0x34: {  	[smem:$0x3FB9] =	sst s10  }
0x35: {  	s10 =	sld [smem:$0x3FB8];
	_ =	sdelay $0x3  }
0x36: {  	p1 =	seq.s32 s10, $0x1;
	s10 =	sld [smem:$0x3FB9];
	_ =	sdelay $0x3  }
0x37: {  	[smem:$0x3FB9] =	sst s10  }
0x38: {  	s10 =	sld [smem:$0x3FBA]  }
0x39: {  	_ = 	snop;
	(pc) =	sbr.ind lr, $3  }
0x3a: {  	_ = 	snop  }
0x3b: {  	_ = 	snop  }
0x3c: {  	p2 =	seq.s32 s10, $0x1;
	s10 =	sld [smem:$0x3FB9]  }
0x3d: {  	_ =	shalt  }
0x3e: {  	_ =	shalt  }
0x3f: {  	_ =	shalt  }
0x40: {  	_ =	shalt  }
0x41: {  	_ =	shalt  }
0x42: {  	_ =	shalt  }
0x43: {  	_ =	shalt  }
0x44: {  	_ =	shalt  }
0x45: {  	_ =	shalt  }
0x46: {  	_ =	shalt  }
0x47: {  	_ =	shalt  }
0x48: {  	_ =	shalt  }
0x49: {  	_ =	shalt  }
0x4a: {  	_ =	shalt  }
0x4b: {  	_ =	shalt  }
0x4c: {  	_ =	shalt  }
0x4d: {  	_ =	shalt  }
0x4e: {  	_ =	shalt  }
0x4f: {  	_ =	shalt  }
0x50: {  	_ =	shalt  }
0x51: {  	_ =	shalt  }
0x52: {  	_ =	shalt  }
0x53: {  	_ =	shalt  }
0x54: {  	_ =	shalt  }
0x55: {  	_ =	shalt  }
0x56: {  	_ =	shalt  }
0x57: {  	_ =	shalt  }
0x58: {  	_ =	shalt  }
0x59: {  	_ =	shalt  }
0x5a: {  	_ =	shalt  }
0x5b: {  	_ =	shalt  }
0x5c: {  	_ =	shalt  }
0x5d: {  	_ =	shalt  }
0x5e: {  	_ =	shalt  }
0x5f: {  	_ =	shalt  }
0x60: {  	_ =	shalt  }
0x61: {  	_ =	shalt  }
0x62: {  	_ =	shalt  }
0x63: {  	_ =	shalt  }
0x64: {  	_ =	shalt  }
0x65: {  	_ =	shalt  }
0x66: {  	_ =	shalt  }
0x67: {  	_ =	shalt  }
0x68: {  	_ =	shalt  }
0x69: {  	_ =	shalt  }
0x6a: {  	_ =	shalt  }
0x6b: {  	_ =	shalt  }
0x6c: {  	_ =	shalt  }
0x6d: {  	_ =	shalt  }
0x6e: {  	_ =	shalt  }
0x6f: {  	_ =	shalt  }
0x70: {  	_ =	shalt  }
0x71: {  	_ =	shalt  }
0x72: {  	_ =	shalt  }
0x73: {  	_ =	shalt  }
0x74: {  	_ =	shalt  }
0x75: {  	_ =	shalt  }
0x76: {  	_ =	shalt  }
0x77: {  	_ =	shalt  }
0x78: {  	_ =	shalt  }
0x79: {  	_ =	shalt  }
0x7a: {  	_ =	shalt  }
0x7b: {  	_ =	shalt  }
0x7c: {  	_ =	shalt  }
0x7d: {  	_ =	shalt  }
0x7e: {  	_ =	shalt  }
0x7f: {  	_ =	shalt  }
0x80: {  	_ =	shalt  }
0x81: {  	_ =	shalt  }
0x82: {  	_ =	shalt  }
0x83: {  	_ =	shalt  }
0x84: {  	_ =	shalt  }
0x85: {  	_ =	shalt  }
0x86: {  	_ =	shalt  }
0x87: {  	_ =	shalt  }
.Lfunc_end0:
.L_simem_size_0:
called_computation_lowered:
.L_overlay_start_0:
0x88: {  	s2 =	sld [smem:$0x3FD9]  }
0x89: {  	s3 =	sld [smem:$0x3FFE];
	_ =	sdelay $0x1  }
0x8a: {  	s1 =	srdreg.scid  }
0x8b: {  	s0 =	sand.u32 $0x1, s1  }
0x8c: {  	s17 =	sshll.u32 s0, $0xA;
	s2 =	sadd.s32 s3, s2  }
0x8d: {  	s2 =	sadd.s32 s2, s17  }
0x8e: {  	[smem:$0x3FC5] =	sst s2  }
0x8f: {  	_ = 	snop  }
0x90: {  	s2 =	sld [smem:$0x3FC9];
	(tm) =	ssettm $0x1  }
0x91: {  	s18 =	sld [smem:$0x3FFB];
	_ =	sdelay $0x3  }
0x92: {  	_ =	strace s18  }
0x93: {  	s3 =	sld [smem:$0x3FFC];
	_ =	sdelay $0x3  }
0x94: {  	_ =	strace s3  }
0x95: {  	s3 =	sld [smem:$0x3FFD];
	_ =	sdelay $0x3  }
0x96: {  	_ =	strace s3  }
0x97: {  	_ =	strace $0x8FFFFFFF  }
0x98: {  	s19 =	sld [smem:$0x3FDB];
	_ =	sdelay $0x1  }
0x99: {  	s4 =	simm.s32 $_scs_section_size  }
0x9a: {  	s5 =	simm.s32 $_size__tile_overlayer_lowered;
	s6 =	simm.s32 $_tile_overlayer_lowered  }
0x9b: {  	s22 =	simm.s32 $0x1BFF;
	s21 =	sshll.u32 s6, $0x1;
	s3 =	sadd.s32 s4, s19  }
0x9c: {  	s7 =	simm.s32 $0x0;
	s20 =	sshll.u32 s5, $0x1;
	s5 =	sadd.s32 s21, s3  }
0x9d: {  	[timem:s7], [sflag:s22] =	dma.local [hbm:s5], s20  }
0x9e: {  	_ =	swait.ge [sflag:s22], s20  }
0x9f: {  	s4 =	ssub.s32 $0x0, s20;
	[sflag:s22] =	ssyncset.done $0x0  }
0xa0: {  	[sflag:s22] =	ssyncadd.s32 s4;
	_ =	sdelay $0x1  }
0xa1: {  	s23 =	simm.s32 $0x1B8B  }
0xa2: {  	_ =	swait.ge [sflag:s23], $0x1  }
0xa3: {  	[sflag:s23] =	ssyncset.done $0x0  }
0xa4: {  	s25 =	simm.s32 $0x1B8E;
	s24 =	sld [smem:$0x3FFE];
	[sflag:s23] =	ssyncadd.s32 $0xFFFFFFFF  }
0xa5: {  	s26 =	simm.s32 $execute0_lowered;
	[smem:$0x3FD2] =	sst s25  }
0xa6: {  	s5 =	sshll.u32 s26, $0x1;
	_ =	strace $0x80000046;
	[dreg:$0x1] =	wrdreg $0xFFFFFFFF  }
0xa7: {  	s28 =	simm.s32 $_size_execute0_lowered;
	s3 =	sadd.s32 s3, s5;
	[dreg:$0x0] =	wrdreg $0x0  }
0xa8: {  	s5 =	sshll.u32 s28, $0x1;
	[dreg:$0x2] =	wrdreg s3  }
0xa9: {  	[dreg:$0x3] =	wrdreg s5  }
0xaa: {  	[dreg:$0x4] =	wrdreg $0xC0  }
0xab: {  	_ =	task [dreg:s7], $0x5FFFF  }
0xac: {  	[dreg:$0x1] =	wrdreg $0xFFFFFFFF  }
0xad: {  	[dreg:$0x0] =	wrdreg $0x60  }
0xae: {  	[dreg:$0x2] =	wrdreg s2  }
0xaf: {  	[dreg:$0x3] =	wrdreg s24  }
0xb0: {  	[dreg:$0x4] =	wrdreg $0x9  }
0xb1: {  	_ =	task.clear_ibuf [dreg:s7], $0x5FFFF;
	_ =	strace $0x90000046  }
0xb2: {  	s29 =	simm.s32 $0x9;
	_ =	strace $0x80000048  }
0xb3: {  	_ =	swait.ge [sflag:s29], $0x1  }
0xb4: {  	[sflag:s29] =	ssyncadd.s32 $0xFFFFFFFF  }
0xb5: {  	_ =	strace $0x90000048  }
0xb6: {  	_ =	sfence  }
0xb7: {  	s30 =	sld [smem:$0x0];
	_ =	sdelay $0x2  }
0xb8: {  	s31 =	sshll.u32 s1, $0xD;
	s1 =	sshrl.u32 s1, $0x2  }
0xb9: {  	s3 =	sand.u32 $0x4000, s31;
	s1 =	sadd.s32 s1, s30  }
0xba: {  	s0 =	sor.u32 s3, s0;
	s1 =	sshll.u32 s1, $0x11  }
0xbb: {  	s0 =	sor.u32 s1, s0  }
0xbc: {  	s0 =	sadd.s32 $0x8F2B, s0  }
0xbd: {  	[sflag:s0] =	ssyncadd.remote.s32 $0x1  }
0xbe: {  	_ =	sfence.sel $0xFFFF  }
0xbf: {  	[dreg:$0x0] =	wrdreg $0xFFFFFFFF;
	(pc) =	sbr.abs _section_cstart, $3  }
0xc0: {  	[dreg:$0x1] =	wrdreg $0xFFFFFFFF  }
0xc1: {  	_ =	task.clear_ibuf [dreg:s7], $0x2FFFF;
	_ =	strace $0x9FFFFFFF  }
0xc2: {  	(tm) =	ssettm $0x7FFFFFFF  }
0xc3: {  	_ =	shalt  }
tec
execute0_lowered:
.L_overlay_start_1:
0x0: {  	(tag) =	ssettag $0x1  }
0x1: {  	s2 =	rddreg [dreg:$0x0]  }
0x2: {  	s1 =	srdreg.scid;
	s0 =	stileid.u32  }
0x3: {  	s4 =	rddreg [dreg:$0x1];
	s3 =	simm.s32 $0x0;
	s8 =	simm.s32 $0xA0  }
0x4: {  	s9 =	simm.s32 $0x4E80;
	s10 =	simm.s32 $0x9E80;
	s12 =	simm.s32 $0xEE80  }
0x5: {  	s13 =	simm.s32 $0x13E80;
	s14 =	simm.s32 $0x1;
	s15 =	simm.s32 $0x18E80  }
0x6: {  	s16 =	simm.s32 $0x2;
	s17 =	simm.s32 $0x6;
	s18 =	simm.s32 $0x3  }
0x7: {  	s19 =	simm.s32 $0x7;
	s20 =	simm.s32 $0x4;
	s21 =	simm.s32 $0x8  }
0x8: {  	s22 =	simm.s32 $0x5;
	s1 =	sand.u32 $0x1, s1;
	s5 =	sshll.u32 s0, $0x1  }
0x9: {  	s23 =	simm.s32 $0x9;
	s6 =	smul.u32 $0x9C400, s0;
	s5 =	sor.u32 s1, s5  }
0xa: {  	s24 =	simm.s32 $0xA;
	s25 =	simm.s32 $0x0;
	s5 =	smul.u32 $0x4E20, s5  }
0xb: {  	[smem:$0x7FF] =	sst s3;
	s7 =	ssub.s32 $0x2, s1;
	s1 =	smul.u32 $0x4E200, s1  }
0xc: {  	_ =	strace $0x80000047;
	s6 =	sadd.s32 s6, s4;
	s5 =	sshrl.u32 s5, $0x3  }
0xd: {  	s30 =	sshrl.u32 s7, $0x1;
	s1 =	sadd.s32 s1, s6;
	s5 =	sadd.s32 s5, s4  }
0xe: {  	s7 =	ssub.s32 s7, s30;
	s6 =	sadd.s32 $0x15400, s1;
	s31 =	sadd.s32 $0x600, s5  }
0xf: {  	s5 =	smax.u32 s7, $0x1;
	s7 =	simm.s32 $0xB;
	[dreg:$0x3] =	wrdreg s31  }
.LBB2_1:
0x10: {  	s0 =	rddreg [dreg:$0x3]  }
0x11: {  	[tilespmem:s3], [sflag:$0xB] =	stream.linear.gather [hbm4b:s0+s3], $0x4E20, $0x38;
	[tilespmem:$0x1DE80] =	vst v63  }
0x12: {  	_ =	swait.ge [sflag:s7], $0x4E20  }
0x13: {  	[sflag:s7] =	ssyncset.done $0x0  }
0x14: {  	[sflag:s7] =	ssyncadd.s32 $0xFFFFB1E0  }
0x15: {  	[tilespmem:s9], [sflag:$0x1] =	stream.indirect.gather [hbm4b:s2+s8], $0x80, s3, s8, $0xb8;
	[tilespmem:$0x1DE80] =	vst v63  }
0x16: {  	_ = 	snop  }
0x17: {  	[tilespmem:s10], [sflag:$0x2] =	stream.indirect.gather [hbm4b:s2+s8], $0x80, s8, s8, $0xb8;
	[tilespmem:$0x1DE80] =	vst v63  }
0x18: {  	s1 =	simm.s32 $0x140;
	p0 =	por $0x1, $0x1  }
0x19: {  	[tilespmem:s12], [sflag:$0x3] =	stream.indirect.gather [hbm4b:s2+s8], $0x80, s1, s8, $0xb8;
	[tilespmem:$0x1DE80] =	vst v63  }
0x1a: {  	s1 =	simm.s32 @!p0 $0x9  }
0x1b: {  	_ =	swait.ge @!p0 [sflag:s1], $0x5000  }
0x1c: {  	[sflag:s1] =	ssyncset.done @!p0 $0x0  }
0x1d: {  	s4 =	simm.s32 $0x1E0;
	[sflag:s1] =	ssyncadd.s32 @!p0 $0xFFFFB000  }
0x1e: {  	[tilespmem:s13], [sflag:$0x4] =	stream.indirect.gather [hbm4b:s2+s8], $0x80, s4, s8, $0xb8;
	[tilespmem:$0x1DE80] =	vst v63  }
0x1f: {  	_ =	swait.ge [sflag:s14], $0x5000  }
0x20: {  	[sflag:s14] =	ssyncset.done $0x0  }
0x21: {  	s11 =	sadd.s32 $0xFFFFEC00, s6;
	s26 =	simm.s32 @!p0 $0xA;
	[sflag:s14] =	ssyncadd.s32 $0xFFFFB000  }
0x22: {  	[hbm4b:s11+s3] =	stream.linear.scatter [tilespmem:s9], [sflag:$0x6], $0x5000, $0x38;
	[tilespmem:$0x1DE80] =	vst v63  }
0x23: {  	_ =	swait.ge @!p0 [sflag:s26], $0x5000  }
0x24: {  	[sflag:s26] =	ssyncset.done @!p0 $0x0  }
0x25: {  	[sflag:s26] =	ssyncadd.s32 @!p0 $0xFFFFB000;
	s26 =	simm.s32 $0x280  }
0x26: {  	[tilespmem:s15], [sflag:$0x5] =	stream.indirect.gather [hbm4b:s2+s8], $0x80, s26, s8, $0xb8;
	[tilespmem:$0x1DE80] =	vst v63  }
0x27: {  	_ =	swait.ge [sflag:s16], $0x5000  }
0x28: {  	[sflag:s16] =	ssyncset.done $0x0  }
0x29: {  	s30 =	sadd.s32 $0xFFFFF600, s6;
	[sflag:s16] =	ssyncadd.s32 $0xFFFFB000  }
0x2a: {  	[hbm4b:s30+s3] =	stream.linear.scatter [tilespmem:s10], [sflag:$0x7], $0x5000, $0x38;
	[tilespmem:$0x1DE80] =	vst v63  }
0x2b: {  	p0 =	por $0x0, $0x0;
	_ =	swait.ge [sflag:s17], $0x5000  }
0x2c: {  	s1 =	simm.s32 @!p0 $0x4E80;
	[sflag:s17] =	ssyncset.done $0x0  }
0x2d: {  	s26 =	simm.s32 @!p0 $0x320;
	s29 =	simm.s32 @!p0 $0xA0;
	[sflag:s17] =	ssyncadd.s32 $0xFFFFB000  }
0x2e: {  	[tilespmem:s1], [sflag:$0x1] =	stream.indirect.gather @!p0 [hbm4b:s2+s29], $0x80, s26, s29, $0xb8;
	[tilespmem:$0x1DE80] =	vst v63  }
0x2f: {  	_ =	swait.ge [sflag:s18], $0x5000  }
0x30: {  	[sflag:s18] =	ssyncset.done $0x0  }
0x31: {  	[sflag:s18] =	ssyncadd.s32 $0xFFFFB000  }
0x32: {  	[hbm4b:s6+s3] =	stream.linear.scatter [tilespmem:s12], [sflag:$0x8], $0x5000, $0x38;
	[tilespmem:$0x1DE80] =	vst v63  }
0x33: {  	_ =	swait.ge [sflag:s19], $0x5000  }
0x34: {  	[sflag:s19] =	ssyncset.done $0x0  }
0x35: {  	s1 =	simm.s32 @!p0 $0x3C0;
	s26 =	simm.s32 @!p0 $0x9E80;
	[sflag:s19] =	ssyncadd.s32 $0xFFFFB000  }
0x36: {  	[tilespmem:s26], [sflag:$0x2] =	stream.indirect.gather @!p0 [hbm4b:s2+s29], $0x80, s1, s29, $0xb8;
	[tilespmem:$0x1DE80] =	vst v63  }
0x37: {  	_ =	swait.ge [sflag:s20], $0x5000  }
0x38: {  	[sflag:s20] =	ssyncset.done $0x0  }
0x39: {  	s31 =	sadd.s32 $0xA00, s6;
	[sflag:s20] =	ssyncadd.s32 $0xFFFFB000  }
0x3a: {  	[hbm4b:s31+s3] =	stream.linear.scatter [tilespmem:s13], [sflag:$0x9], $0x5000, $0x38;
	[tilespmem:$0x1DE80] =	vst v63  }
0x3b: {  	_ =	swait.ge [sflag:s21], $0x5000  }
0x3c: {  	s28 =	simm.s32 $0xC80;
	[sflag:s21] =	ssyncset.done $0x0  }
0x3d: {  	s1 =	simm.s32 @!p0 $0x460;
	s26 =	simm.s32 @!p0 $0xEE80;
	[sflag:s21] =	ssyncadd.s32 $0xFFFFB000  }
0x3e: {  	[tilespmem:s26], [sflag:$0x3] =	stream.indirect.gather @!p0 [hbm4b:s2+s29], $0x80, s1, s29, $0xb8;
	[tilespmem:$0x1DE80] =	vst v63  }
0x3f: {  	p1 =	por $0x0, $0x0;
	s29 =	simm.s32 $0x1900;
	_ =	swait.ge [sflag:s22], $0x5000  }
0x40: {  	s26 =	sadd.s32 $0x3200, s6;
	s1 =	sadd.s32 $0x1400, s6;
	[sflag:s22] =	ssyncset.done $0x0  }
.LBB2_2:
0x41: {  	s0 =	simm.s32 @!p1 $0x9;
	[sflag:s22] =	ssyncadd.s32 $0xFFFFB000  }
0x42: {  	s31 =	smov.u32 s29;
	s29 =	sadd.s32 $0xC80, s29;
	s30 =	smov.u32 s26  }
0x43: {  	[hbm4b:s1+s3] =	stream.linear.scatter [tilespmem:s15], [sflag:$0xA], $0x5000, $0x38;
	[tilespmem:$0x1DE80] =	vst v63  }
0x44: {  	p0 =	sne.s32 s29, $0x13880;
	_ =	swait.ge @!p1 [sflag:s0], $0x5000  }
0x45: {  	s1 =	sshra.s32 s28, $0x2;
	[sflag:s0] =	ssyncset.done @!p1 $0x0  }
0x46: {  	[sflag:s0] =	ssyncadd.s32 @!p1 $0xFFFFB000;
	s0 =	sadd.s32 $0x1E0, s1  }
0x47: {  	[tilespmem:s13], [sflag:$0x4] =	stream.indirect.gather [hbm4b:s2+s8], $0x80, s0, s8, $0xb8;
	[tilespmem:$0x1DE80] =	vst v63  }
0x48: {  	_ =	swait.ge [sflag:s14], $0x5000  }
0x49: {  	[sflag:s14] =	ssyncset.done $0x0  }
0x4a: {  	s11 =	simm.s32 @!p1 $0xA;
	s0 =	sadd.s32 $0xFFFFEC00, s26;
	[sflag:s14] =	ssyncadd.s32 $0xFFFFB000  }
0x4b: {  	[hbm4b:s0+s3] =	stream.linear.scatter [tilespmem:s9], [sflag:$0x6], $0x5000, $0x38;
	[tilespmem:$0x1DE80] =	vst v63  }
0x4c: {  	_ =	swait.ge @!p1 [sflag:s11], $0x5000  }
0x4d: {  	[sflag:s11] =	ssyncset.done @!p1 $0x0  }
0x4e: {  	s0 =	sadd.s32 $0x280, s1;
	[sflag:s11] =	ssyncadd.s32 @!p1 $0xFFFFB000  }
0x4f: {  	[tilespmem:s15], [sflag:$0x5] =	stream.indirect.gather [hbm4b:s2+s8], $0x80, s0, s8, $0xb8;
	[tilespmem:$0x1DE80] =	vst v63  }
0x50: {  	_ =	swait.ge [sflag:s16], $0x5000  }
0x51: {  	[sflag:s16] =	ssyncset.done $0x0  }
0x52: {  	s0 =	sadd.s32 $0xFFFFF600, s26;
	[sflag:s16] =	ssyncadd.s32 $0xFFFFB000  }
0x53: {  	[hbm4b:s0+s3] =	stream.linear.scatter [tilespmem:s10], [sflag:$0x7], $0x5000, $0x38;
	[tilespmem:$0x1DE80] =	vst v63  }
0x54: {  	p1 =	seq.s32 s28, $0x12C00;
	_ =	swait.ge [sflag:s17], $0x5000  }
0x55: {  	s1 =	simm.s32 @!p1 $0x4E80;
	s0 =	sshra.s32 @!p1 s28, $0x2;
	[sflag:s17] =	ssyncset.done $0x0  }
0x56: {  	s4 =	simm.s32 @!p1 $0xA0;
	s11 =	sadd.s32 @!p1 $0x320, s0;
	[sflag:s17] =	ssyncadd.s32 $0xFFFFB000  }
0x57: {  	[tilespmem:s1], [sflag:$0x1] =	stream.indirect.gather @!p1 [hbm4b:s2+s4], $0x80, s11, s4, $0xb8;
	[tilespmem:$0x1DE80] =	vst v63  }
0x58: {  	s1 =	sadd.s32 @!p1 $0x3C0, s0;
	s0 =	sadd.s32 @!p1 $0x460, s0;
	_ =	swait.ge [sflag:s18], $0x5000  }
0x59: {  	s28 =	smov.u32 s31;
	[sflag:s18] =	ssyncset.done $0x0  }
0x5a: {  	[sflag:s18] =	ssyncadd.s32 $0xFFFFB000  }
0x5b: {  	[hbm4b:s26+s3] =	stream.linear.scatter [tilespmem:s12], [sflag:$0x8], $0x5000, $0x38;
	[tilespmem:$0x1DE80] =	vst v63  }
0x5c: {  	_ =	swait.ge [sflag:s19], $0x5000  }
0x5d: {  	[sflag:s19] =	ssyncset.done $0x0  }
0x5e: {  	s11 =	simm.s32 @!p1 $0x9E80;
	[sflag:s19] =	ssyncadd.s32 $0xFFFFB000  }
0x5f: {  	[tilespmem:s11], [sflag:$0x2] =	stream.indirect.gather @!p1 [hbm4b:s2+s4], $0x80, s1, s4, $0xb8;
	[tilespmem:$0x1DE80] =	vst v63  }
0x60: {  	_ =	swait.ge [sflag:s20], $0x5000  }
0x61: {  	[sflag:s20] =	ssyncset.done $0x0  }
0x62: {  	s1 =	sadd.s32 $0xA00, s26;
	[sflag:s20] =	ssyncadd.s32 $0xFFFFB000  }
0x63: {  	[hbm4b:s1+s3] =	stream.linear.scatter [tilespmem:s13], [sflag:$0x9], $0x5000, $0x38;
	[tilespmem:$0x1DE80] =	vst v63  }
0x64: {  	_ =	swait.ge [sflag:s21], $0x5000  }
.Ltmp0:
0x65: {  	[sflag:s21] =	ssyncset.done $0x0;
	(pc) =	sbr.rel @p0 .LBB2_2-.Ltmp0, $4  }
0x66: {  	s1 =	simm.s32 @!p1 $0xEE80;
	[sflag:s21] =	ssyncadd.s32 $0xFFFFB000  }
0x67: {  	[tilespmem:s1], [sflag:$0x3] =	stream.indirect.gather @!p1 [hbm4b:s2+s4], $0x80, s0, s4, $0xb8;
	[tilespmem:$0x1DE80] =	vst v63  }
0x68: {  	s26 =	sadd.s32 $0x3200, s26;
	_ =	swait.ge [sflag:s22], $0x5000  }
0x69: {  	p1 =	seq.s32 s28, $0x0;
	s1 =	sadd.s32 $0x1400, s30;
	[sflag:s22] =	ssyncset.done $0x0  }
0x6a: {  	s0 =	simm.s32 @!p1 $0x9;
	[sflag:s22] =	ssyncadd.s32 $0xFFFFB000  }
0x6b: {  	[hbm4b:s1+s3] =	stream.linear.scatter [tilespmem:s15], [sflag:$0xA], $0x5000, $0x38;
	[tilespmem:$0x1DE80] =	vst v63  }
0x6c: {  	_ =	swait.ge @!p1 [sflag:s0], $0x5000  }
0x6d: {  	s29 =	sshra.s32 s28, $0x2;
	[sflag:s0] =	ssyncset.done @!p1 $0x0  }
0x6e: {  	s30 =	sadd.s32 $0x1E0, s29;
	[sflag:s0] =	ssyncadd.s32 @!p1 $0xFFFFB000  }
0x6f: {  	[tilespmem:s13], [sflag:$0x4] =	stream.indirect.gather [hbm4b:s2+s8], $0x80, s30, s8, $0xb8;
	[tilespmem:$0x1DE80] =	vst v63  }
0x70: {  	_ =	swait.ge [sflag:s14], $0x5000  }
0x71: {  	[sflag:s14] =	ssyncset.done $0x0  }
0x72: {  	s31 =	sadd.s32 $0xFFFFEC00, s26;
	s4 =	simm.s32 @!p1 $0xA;
	[sflag:s14] =	ssyncadd.s32 $0xFFFFB000  }
0x73: {  	[hbm4b:s31+s3] =	stream.linear.scatter [tilespmem:s9], [sflag:$0x6], $0x5000, $0x38;
	[tilespmem:$0x1DE80] =	vst v63  }
0x74: {  	_ =	swait.ge @!p1 [sflag:s4], $0x5000  }
0x75: {  	[sflag:s4] =	ssyncset.done @!p1 $0x0  }
0x76: {  	s11 =	sadd.s32 $0x280, s29;
	[sflag:s4] =	ssyncadd.s32 @!p1 $0xFFFFB000  }
0x77: {  	[tilespmem:s15], [sflag:$0x5] =	stream.indirect.gather [hbm4b:s2+s8], $0x80, s11, s8, $0xb8;
	[tilespmem:$0x1DE80] =	vst v63  }
0x78: {  	_ =	swait.ge [sflag:s16], $0x5000  }
0x79: {  	[sflag:s16] =	ssyncset.done $0x0  }
0x7a: {  	s29 =	sadd.s32 $0xFFFFF600, s26;
	[sflag:s16] =	ssyncadd.s32 $0xFFFFB000  }
0x7b: {  	[hbm4b:s29+s3] =	stream.linear.scatter [tilespmem:s10], [sflag:$0x7], $0x5000, $0x38;
	[tilespmem:$0x1DE80] =	vst v63  }
0x7c: {  	p0 =	seq.s32 s28, $0x12C00;
	_ =	swait.ge [sflag:s17], $0x5000  }
0x7d: {  	s1 =	simm.s32 @!p0 $0x4E80;
	s0 =	sshra.s32 @!p0 s28, $0x2;
	[sflag:s17] =	ssyncset.done $0x0  }
0x7e: {  	s4 =	sadd.s32 @!p0 $0x320, s0;
	s11 =	simm.s32 @!p0 $0xA0;
	[sflag:s17] =	ssyncadd.s32 $0xFFFFB000  }
0x7f: {  	[tilespmem:s1], [sflag:$0x1] =	stream.indirect.gather @!p0 [hbm4b:s2+s11], $0x80, s4, s11, $0xb8;
	[tilespmem:$0x1DE80] =	vst v63  }
0x80: {  	_ =	swait.ge [sflag:s18], $0x5000  }
0x81: {  	[sflag:s18] =	ssyncset.done $0x0  }
0x82: {  	[sflag:s18] =	ssyncadd.s32 $0xFFFFB000  }
0x83: {  	[hbm4b:s26+s3] =	stream.linear.scatter [tilespmem:s12], [sflag:$0x8], $0x5000, $0x38;
	[tilespmem:$0x1DE80] =	vst v63  }
0x84: {  	_ =	swait.ge [sflag:s19], $0x5000  }
0x85: {  	[sflag:s19] =	ssyncset.done $0x0  }
0x86: {  	s1 =	sadd.s32 @!p0 $0x3C0, s0;
	s4 =	simm.s32 @!p0 $0x9E80;
	[sflag:s19] =	ssyncadd.s32 $0xFFFFB000  }
0x87: {  	[tilespmem:s4], [sflag:$0x2] =	stream.indirect.gather @!p0 [hbm4b:s2+s11], $0x80, s1, s11, $0xb8;
	[tilespmem:$0x1DE80] =	vst v63  }
0x88: {  	_ =	swait.ge [sflag:s20], $0x5000  }
0x89: {  	[sflag:s20] =	ssyncset.done $0x0  }
0x8a: {  	s30 =	sadd.s32 $0xA00, s26;
	[sflag:s20] =	ssyncadd.s32 $0xFFFFB000  }
0x8b: {  	[hbm4b:s30+s3] =	stream.linear.scatter [tilespmem:s13], [sflag:$0x9], $0x5000, $0x38;
	[tilespmem:$0x1DE80] =	vst v63  }
0x8c: {  	_ =	swait.ge [sflag:s21], $0x5000  }
0x8d: {  	[sflag:s21] =	ssyncset.done $0x0  }
0x8e: {  	s0 =	sadd.s32 @!p0 $0x460, s0;
	s1 =	simm.s32 @!p0 $0xEE80;
	[sflag:s21] =	ssyncadd.s32 $0xFFFFB000  }
0x8f: {  	[tilespmem:s1], [sflag:$0x3] =	stream.indirect.gather @!p0 [hbm4b:s2+s11], $0x80, s0, s11, $0xb8;
	[tilespmem:$0x1DE80] =	vst v63  }
0x90: {  	_ =	swait.ge [sflag:s22], $0x5000  }
0x91: {  	[sflag:s22] =	ssyncset.done $0x0  }
0x92: {  	s25 =	sadd.s32 $0x1, s25;
	s31 =	sadd.s32 $0x1400, s26;
	[sflag:s22] =	ssyncadd.s32 $0xFFFFB000  }
0x93: {  	[hbm4b:s31+s3] =	stream.linear.scatter [tilespmem:s15], [sflag:$0xA], $0x5000, $0x38;
	[tilespmem:$0x1DE80] =	vst v63  }
0x94: {  	p0 =	sne.s32 s25, s5;
	_ =	swait.ge [sflag:s23], $0x5000  }
.Ltmp1:
0x95: {  	[sflag:s23] =	ssyncset.done $0x0;
	(pc) =	sbr.rel @p0 .LBB2_1-.Ltmp1, $4  }
0x96: {  	[sflag:s23] =	ssyncadd.s32 $0xFFFFB000  }
0x97: {  	_ =	swait.ge [sflag:s24], $0x5000  }
0x98: {  	[sflag:s24] =	ssyncset.done $0x0  }
0x99: {  	[sflag:s24] =	ssyncadd.s32 $0xFFFFB000  }
0x9a: {  	_ =	sfence.sel $0x180000  }
0x9b: {  	[bflag:$0x0] =	sbarrier.arrive $0xFFFF  }
0x9c: {  	_ =	strace $0x90000047  }
0x9d: {  	s0 =	stileid.u32;
	[bflag:$0x2] =	sbarrier.arrive $0xFFFF  }
0x9e: {  	p0 =	sne.s32 s0, $0x0;
	s0 =	rddreg [dreg:$0x2]  }
0x9f: {  	s0 =	sadd.s32 @!p0 $0x100000, s0  }
0xa0: {  	[sflag:s0] =	ssyncadd.tile.s32 @!p0 $0x1;
	_ =	shalt  }
.Lfunc_end2:
_tile_overlayer_lowered:
.L_overlay_start_2:
0xa1: {  	(tag) =	ssettag $0x2  }
0xa2: {  	s0 =	rddreg [dreg:$0x0];
	s2 =	stileid.u32  }
0xa3: {  	s1 =	rddreg [dreg:$0x1];
	p0 =	sne.s32 s2, $0x0  }
0xa4: {  	s3 =	rddreg [dreg:$0x2];
	[bflag:$0x3] =	sbarrier.arrive $0xFFFF;
	s2 =	simm.s32 @!p0 $0x1C0B  }
0xa5: {  	[timem:s3], [sflag:s2] =	dma.local @!p0 [hbm:s0], s1  }
0xa6: {  	s0 =	simm.s32 @!p0 $0xB  }
0xa7: {  	_ =	swait.ge @!p0 [sflag:s0], s1  }
0xa8: {  	s1 =	ssub.s32 @!p0 $0x0, s1;
	[sflag:s0] =	ssyncset.done @!p0 $0x0  }
0xa9: {  	[sflag:s0] =	ssyncadd.s32 @!p0 s1  }
0xaa: {  	[bflag:$0x3] =	sbarrier.arrive $0xFFFF  }
0xab: {  	_ =	shalt  }

</sc_bundles>
